<compile_context>
chip_gen: v7x
topology: tpu7x:2x2x1
jax: 0.10.2.dev20260603
libtpu: 0.0.44.dev20260713+nightly
codegen_flags: <defaults>
</compile_context>

<pallas_src>
import jax
import jax.numpy as jnp
from jax import lax
from jax.experimental import pallas as pl
from jax.experimental.pallas import tpu as pltpu
from jax.experimental.pallas import tpu_sc as plsc

_ROWS = 256
_NC = 2
_NS = 16
_L = 16
_NW = _NC * _NS


def _sc_select_weights(rew_flat, wbc, base0, ntok):
    tok_per_w = ntok // _NW
    mesh = plsc.VectorSubcoreMesh(core_axis_name="c", subcore_axis_name="s")

    def body(rew_hbm, wbc_hbm, wa_hbm, wb_hbm, idx_v, wbc_v, wa_v, wb_v):
        wid = lax.axis_index("s") * _NC + lax.axis_index("c")
        base = wid * tok_per_w
        pltpu.sync_copy(wbc_hbm, wbc_v)
        pltpu.sync_copy(rew_hbm.at[pl.ds(base0 + base, tok_per_w)], idx_v)
        w00v = wbc_v[0, :]
        w01v = wbc_v[1, :]
        w10v = wbc_v[2, :]
        w11v = wbc_v[3, :]
        for c in range(tok_per_w // _L):
            r16 = idx_v[pl.ds(c * _L, _L)]
            m = r16 == 0
            wa_v[pl.ds(c * _L, _L)] = jnp.where(m, w00v, w10v)
            wb_v[pl.ds(c * _L, _L)] = jnp.where(m, w01v, w11v)
        pltpu.sync_copy(wa_v, wa_hbm.at[pl.ds(base, tok_per_w)])
        pltpu.sync_copy(wb_v, wb_hbm.at[pl.ds(base, tok_per_w)])

    f = pl.kernel(
        body,
        out_type=[
            jax.ShapeDtypeStruct((ntok,), jnp.float32),
            jax.ShapeDtypeStruct((ntok,), jnp.float32),
        ],
        mesh=mesh,
        scratch_types=[
            pltpu.VMEM((tok_per_w,), jnp.int32),
            pltpu.VMEM((4, _L), jnp.float32),
            pltpu.VMEM((tok_per_w,), jnp.float32),
            pltpu.VMEM((tok_per_w,), jnp.float32),
        ],
    )
    return f(rew_flat, wbc)


def _blend_inline_body(w_ref, idx_ref, x_ref, y_ref, o_ref):
    r = idx_ref[:, :]
    sel = r == 0
    w0 = jnp.where(sel, w_ref[0, 0], w_ref[1, 0])
    w1 = jnp.where(sel, w_ref[0, 1], w_ref[1, 1])
    o_ref[:, :] = x_ref[:, :] * w0 + y_ref[:, :] * w1


def _blend_weighted_body(prev_ref, wa_ref, wb_ref, x_ref, y_ref, o_ref):
    del prev_ref
    o_ref[:, :] = x_ref[:, :] * wa_ref[:, :] + y_ref[:, :] * wb_ref[:, :]


def kernel(X, Y, reward, W):
    B, S, D = X.shape
    N = B * S
    half = N // 2
    hblk = half // _ROWS
    x2 = X.reshape(N, D)
    y2 = Y.reshape(N, D)
    rew_flat = reward.reshape(N)
    idx = reward.reshape(N, 1)
    wbc = jnp.broadcast_to(
        W.reshape(2, 2, 1), (2, 2, _L)
    ).reshape(4, _L)

    wa, wb = _sc_select_weights(rew_flat, wbc, half, N - half)

    out1 = pl.pallas_call(
        _blend_inline_body,
        grid=(hblk,),
        in_specs=[
            pl.BlockSpec(memory_space=pltpu.SMEM),
            pl.BlockSpec((_ROWS, 1), lambda i: (i, 0)),
            pl.BlockSpec((_ROWS, D), lambda i: (i, 0)),
            pl.BlockSpec((_ROWS, D), lambda i: (i, 0)),
        ],
        out_specs=pl.BlockSpec((_ROWS, D), lambda i: (i, 0)),
        out_shape=jax.ShapeDtypeStruct((N, D), jnp.float32),
        compiler_params=pltpu.CompilerParams(
            dimension_semantics=("parallel",),
        ),
    )(W, idx, x2, y2)

    out = pl.pallas_call(
        _blend_weighted_body,
        grid=(hblk,),
        in_specs=[
            pl.BlockSpec(memory_space=pl.ANY),
            pl.BlockSpec((_ROWS, 1), lambda i: (i, 0)),
            pl.BlockSpec((_ROWS, 1), lambda i: (i, 0)),
            pl.BlockSpec((_ROWS, D), lambda i: (i + hblk, 0)),
            pl.BlockSpec((_ROWS, D), lambda i: (i + hblk, 0)),
        ],
        out_specs=pl.BlockSpec((_ROWS, D), lambda i: (i + hblk, 0)),
        out_shape=jax.ShapeDtypeStruct((N, D), jnp.float32),
        input_output_aliases={0: 0},
        compiler_params=pltpu.CompilerParams(
            dimension_semantics=("parallel",),
        ),
    )(out1, wa.reshape(half, 1), wb.reshape(half, 1), x2, y2)
    return out.reshape(B, S, D)

# --- scband reference (transcript-rebuilt; emitter-appended) ---
"""Pipeline reference for scband-mult-layer-adaptive-simple-42013370089772 (READ-ONLY COPY).

The authoritative reference and input builder live on the scoring server;
editing this copy changes nothing except your own understanding.
"""

import jax, jax.numpy as jnp
import numpy as np

ALPHA = [0.3, 0.7]

def setup_inputs(seed: int = 0) -> dict:
    key = jax.random.key(seed)
    k1, k2, k3 = jax.random.split(key, 3)
    X = jax.random.normal(k1, (2, 2048, 4096), dtype=jnp.float32)
    Y = jax.random.normal(k2, (2, 2048, 4096), dtype=jnp.float32)
    reward = jax.random.randint(k3, (2, 2048, 1), 0, 2, dtype=jnp.int32)
    # learned blend-weight table: row e = [alpha_e, 1 - alpha_e]
    W = jnp.array([[ALPHA[0], 1.0 - ALPHA[0]], [ALPHA[1], 1.0 - ALPHA[1]]], dtype=jnp.float32)
    return {"X": X, "Y": Y, "reward": reward, "W": W}

def reference(X, Y, reward, W):
    # res[i, j, :] = X[i, j, :] * W[reward[i,j,0], 0] + Y[i, j, :] * W[reward[i,j,0], 1]
    idx = reward[:, :, 0]                      # [B, S] int in {0, 1}
    w0 = jnp.take(W[:, 0], idx)[..., None]     # gather per-token alpha        -> [B, S, 1]
    w1 = jnp.take(W[:, 1], idx)[..., None]     # gather per-token (1 - alpha)  -> [B, S, 1]
    return X * w0 + Y * w1

if __name__ == "__main__":
    import jax
    _d = setup_inputs()
    print(jax.jit(kernel)(*tuple(_d.values())))

</pallas_src>

<mosaic_0001>
#map = affine_map<(d0, d1) -> (0)>
#map1 = affine_map<(d0, d1) -> (0, 0)>
module attributes {stable_mosaic.version = 14 : i64} {
  func.func @body(%arg0: i32, %arg1: i32, %arg2: memref<4096xi32, #tpu.memory_space<hbm>>, %arg3: memref<4x16xf32, #tpu.memory_space<hbm>>, %arg4: memref<2048xf32, #tpu.memory_space<hbm>>, %arg5: memref<2048xf32, #tpu.memory_space<hbm>>, %arg6: memref<64xi32, #tpu.memory_space<vmem>>, %arg7: memref<4x16xf32, #tpu.memory_space<vmem>>, %arg8: memref<64xf32, #tpu.memory_space<vmem>>, %arg9: memref<64xf32, #tpu.memory_space<vmem>>) attributes {dimension_semantics = [#tpu.dimension_semantics<core_parallel>, #tpu.dimension_semantics<subcore_parallel>], iteration_bounds = array<i64: 2, 16>, scalar_prefetch = 0 : i64, scratch_operands = 4 : i64, tpu.core_type = #tpu.core_type<sc_vector_subcore>, window_params = [{transform_indices = #map}, {transform_indices = #map1}, {transform_indices = #map}, {transform_indices = #map}]} {
    %mul3A = arith.constant 2 : i32
    %mul3A_0 = arith.muli %arg1, %mul3A : i32
    %add3A = arith.addi %mul3A_0, %arg0 : i32
    %mul3A_1 = arith.constant 64 : i32
    %mul3A_2 = arith.muli %add3A, %mul3A_1 : i32
    "tpu.region"() ({
      %run_scoped3A = tpu.sem_alloc : memref<!tpu.dma_semaphore, #tpu.memory_space<semaphore_mem>>
      tpu.enqueue_dma source(%arg3 : memref<4x16xf32, #tpu.memory_space<hbm>>) target(%arg7 : memref<4x16xf32, #tpu.memory_space<vmem>>) target_semaphore(%run_scoped3A : memref<!tpu.dma_semaphore, #tpu.memory_space<semaphore_mem>>)
      tpu.wait_dma2 semaphore(%run_scoped3A : memref<!tpu.dma_semaphore, #tpu.memory_space<semaphore_mem>>) src(%arg3 : memref<4x16xf32, #tpu.memory_space<hbm>>) dst(%arg7 : memref<4x16xf32, #tpu.memory_space<vmem>>)
      tpu.yield
    }) : () -> ()
    %add3A_3 = arith.constant 2048 : i32
    %add3A_4 = arith.addi %add3A_3, %mul3A_2 : i32
    "tpu.region"() ({
      %run_scoped3A = tpu.sem_alloc : memref<!tpu.dma_semaphore, #tpu.memory_space<semaphore_mem>>
      %dma_start3A = tpu.memref_slice %arg2[%add3A_4] : memref<4096xi32, #tpu.memory_space<hbm>> -> memref<64xi32, #tpu.memory_space<hbm>>
      %dma_start3A_85 = tpu.memref_slice %arg2[%add3A_4] : memref<4096xi32, #tpu.memory_space<hbm>> -> memref<64xi32, #tpu.memory_space<hbm>>
      tpu.enqueue_dma source(%dma_start3A_85 : memref<64xi32, #tpu.memory_space<hbm>>) target(%arg6 : memref<64xi32, #tpu.memory_space<vmem>>) target_semaphore(%run_scoped3A : memref<!tpu.dma_semaphore, #tpu.memory_space<semaphore_mem>>)
      %dma_wait3A = tpu.memref_slice %arg2[%add3A_4] : memref<4096xi32, #tpu.memory_space<hbm>> -> memref<64xi32, #tpu.memory_space<hbm>>
      %dma_wait3A_86 = tpu.memref_slice %arg2[%add3A_4] : memref<4096xi32, #tpu.memory_space<hbm>> -> memref<64xi32, #tpu.memory_space<hbm>>
      tpu.wait_dma2 semaphore(%run_scoped3A : memref<!tpu.dma_semaphore, #tpu.memory_space<semaphore_mem>>) src(%dma_wait3A_86 : memref<64xi32, #tpu.memory_space<hbm>>) dst(%arg6 : memref<64xi32, #tpu.memory_space<vmem>>)
      tpu.yield
    }) : () -> ()
    %get3A = arith.constant 0 : i32
    %get3A_5 = arith.index_cast %get3A : i32 to index
    %get3A_6 = arith.constant 0 : index
    %get3A_7 = tpu.vector_load %arg7[%get3A_5, %get3A_6] {strides = array<i32>} : memref<4x16xf32, #tpu.memory_space<vmem>>, vector<1x16xf32>,
    %get3A_8 = vector.shape_cast %get3A_7 : vector<1x16xf32> to vector<16xf32>
    %get3A_9 = arith.constant 1 : i32
    %get3A_10 = arith.index_cast %get3A_9 : i32 to index
    %get3A_11 = arith.constant 0 : index
    %get3A_12 = tpu.vector_load %arg7[%get3A_10, %get3A_11] {strides = array<i32>} : memref<4x16xf32, #tpu.memory_space<vmem>>, vector<1x16xf32>,
    %get3A_13 = vector.shape_cast %get3A_12 : vector<1x16xf32> to vector<16xf32>
    %get3A_14 = arith.constant 2 : i32
    %get3A_15 = arith.index_cast %get3A_14 : i32 to index
    %get3A_16 = arith.constant 0 : index
    %get3A_17 = tpu.vector_load %arg7[%get3A_15, %get3A_16] {strides = array<i32>} : memref<4x16xf32, #tpu.memory_space<vmem>>, vector<1x16xf32>,
    %get3A_18 = vector.shape_cast %get3A_17 : vector<1x16xf32> to vector<16xf32>
    %get3A_19 = arith.constant 3 : i32
    %get3A_20 = arith.index_cast %get3A_19 : i32 to index
    %get3A_21 = arith.constant 0 : index
    %get3A_22 = tpu.vector_load %arg7[%get3A_20, %get3A_21] {strides = array<i32>} : memref<4x16xf32, #tpu.memory_space<vmem>>, vector<1x16xf32>,
    %get3A_23 = vector.shape_cast %get3A_22 : vector<1x16xf32> to vector<16xf32>
    %get3A_24 = arith.constant 0 : index
    %get3A_25 = tpu.vector_load %arg6[%get3A_24] {strides = array<i32>} : memref<64xi32, #tpu.memory_space<vmem>>, vector<16xi32>,
    %get3A_26 = vector.shape_cast %get3A_25 : vector<16xi32> to vector<16xi32>
    %eq3A = arith.constant 0 : i32
    %eq3A_27 = vector.broadcast %eq3A : i32 to vector<16xi32>
    %eq3A_28 = arith.cmpi eq, %get3A_26, %eq3A_27 : vector<16xi32>
    %select_n3A = arith.select %eq3A_28, %get3A_8, %get3A_18 : vector<16xi1>, vector<16xf32>
    %swap3A = arith.constant 0 : index
    %swap3A_29 = tpu.vector_load %arg8[%swap3A] {strides = array<i32>} : memref<64xf32, #tpu.memory_space<vmem>>, vector<16xf32>,
    %swap3A_30 = vector.shape_cast %swap3A_29 : vector<16xf32> to vector<16xf32>
    %swap3A_31 = vector.shape_cast %select_n3A : vector<16xf32> to vector<16xf32>
    tpu.vector_store %arg8[%swap3A], %swap3A_31 {strides = array<i32>} : memref<64xf32, #tpu.memory_space<vmem>>, vector<16xf32>,
    %select_n3A_32 = arith.select %eq3A_28, %get3A_13, %get3A_23 : vector<16xi1>, vector<16xf32>
    %swap3A_33 = arith.constant 0 : index
    %swap3A_34 = tpu.vector_load %arg9[%swap3A_33] {strides = array<i32>} : memref<64xf32, #tpu.memory_space<vmem>>, vector<16xf32>,
    %swap3A_35 = vector.shape_cast %swap3A_34 : vector<16xf32> to vector<16xf32>
    %swap3A_36 = vector.shape_cast %select_n3A_32 : vector<16xf32> to vector<16xf32>
    tpu.vector_store %arg9[%swap3A_33], %swap3A_36 {strides = array<i32>} : memref<64xf32, #tpu.memory_space<vmem>>, vector<16xf32>,
    %get3A_37 = arith.constant 16 : index
    %get3A_38 = tpu.vector_load %arg6[%get3A_37] {strides = array<i32>} : memref<64xi32, #tpu.memory_space<vmem>>, vector<16xi32>,
    %get3A_39 = vector.shape_cast %get3A_38 : vector<16xi32> to vector<16xi32>
    %eq3A_40 = arith.constant 0 : i32
    %eq3A_41 = vector.broadcast %eq3A_40 : i32 to vector<16xi32>
    %eq3A_42 = arith.cmpi eq, %get3A_39, %eq3A_41 : vector<16xi32>
    %select_n3A_43 = arith.select %eq3A_42, %get3A_8, %get3A_18 : vector<16xi1>, vector<16xf32>
    %swap3A_44 = arith.constant 16 : index
    %swap3A_45 = tpu.vector_load %arg8[%swap3A_44] {strides = array<i32>} : memref<64xf32, #tpu.memory_space<vmem>>, vector<16xf32>,
    %swap3A_46 = vector.shape_cast %swap3A_45 : vector<16xf32> to vector<16xf32>
    %swap3A_47 = vector.shape_cast %select_n3A_43 : vector<16xf32> to vector<16xf32>
    tpu.vector_store %arg8[%swap3A_44], %swap3A_47 {strides = array<i32>} : memref<64xf32, #tpu.memory_space<vmem>>, vector<16xf32>,
    %select_n3A_48 = arith.select %eq3A_42, %get3A_13, %get3A_23 : vector<16xi1>, vector<16xf32>
    %swap3A_49 = arith.constant 16 : index
    %swap3A_50 = tpu.vector_load %arg9[%swap3A_49] {strides = array<i32>} : memref<64xf32, #tpu.memory_space<vmem>>, vector<16xf32>,
    %swap3A_51 = vector.shape_cast %swap3A_50 : vector<16xf32> to vector<16xf32>
    %swap3A_52 = vector.shape_cast %select_n3A_48 : vector<16xf32> to vector<16xf32>
    tpu.vector_store %arg9[%swap3A_49], %swap3A_52 {strides = array<i32>} : memref<64xf32, #tpu.memory_space<vmem>>, vector<16xf32>,
    %get3A_53 = arith.constant 32 : index
    %get3A_54 = tpu.vector_load %arg6[%get3A_53] {strides = array<i32>} : memref<64xi32, #tpu.memory_space<vmem>>, vector<16xi32>,
    %get3A_55 = vector.shape_cast %get3A_54 : vector<16xi32> to vector<16xi32>
    %eq3A_56 = arith.constant 0 : i32
    %eq3A_57 = vector.broadcast %eq3A_56 : i32 to vector<16xi32>
    %eq3A_58 = arith.cmpi eq, %get3A_55, %eq3A_57 : vector<16xi32>
    %select_n3A_59 = arith.select %eq3A_58, %get3A_8, %get3A_18 : vector<16xi1>, vector<16xf32>
    %swap3A_60 = arith.constant 32 : index
    %swap3A_61 = tpu.vector_load %arg8[%swap3A_60] {strides = array<i32>} : memref<64xf32, #tpu.memory_space<vmem>>, vector<16xf32>,
    %swap3A_62 = vector.shape_cast %swap3A_61 : vector<16xf32> to vector<16xf32>
    %swap3A_63 = vector.shape_cast %select_n3A_59 : vector<16xf32> to vector<16xf32>
    tpu.vector_store %arg8[%swap3A_60], %swap3A_63 {strides = array<i32>} : memref<64xf32, #tpu.memory_space<vmem>>, vector<16xf32>,
    %select_n3A_64 = arith.select %eq3A_58, %get3A_13, %get3A_23 : vector<16xi1>, vector<16xf32>
    %swap3A_65 = arith.constant 32 : index
    %swap3A_66 = tpu.vector_load %arg9[%swap3A_65] {strides = array<i32>} : memref<64xf32, #tpu.memory_space<vmem>>, vector<16xf32>,
    %swap3A_67 = vector.shape_cast %swap3A_66 : vector<16xf32> to vector<16xf32>
    %swap3A_68 = vector.shape_cast %select_n3A_64 : vector<16xf32> to vector<16xf32>
    tpu.vector_store %arg9[%swap3A_65], %swap3A_68 {strides = array<i32>} : memref<64xf32, #tpu.memory_space<vmem>>, vector<16xf32>,
    %get3A_69 = arith.constant 48 : index
    %get3A_70 = tpu.vector_load %arg6[%get3A_69] {strides = array<i32>} : memref<64xi32, #tpu.memory_space<vmem>>, vector<16xi32>,
    %get3A_71 = vector.shape_cast %get3A_70 : vector<16xi32> to vector<16xi32>
    %eq3A_72 = arith.constant 0 : i32
    %eq3A_73 = vector.broadcast %eq3A_72 : i32 to vector<16xi32>
    %eq3A_74 = arith.cmpi eq, %get3A_71, %eq3A_73 : vector<16xi32>
    %select_n3A_75 = arith.select %eq3A_74, %get3A_8, %get3A_18 : vector<16xi1>, vector<16xf32>
    %swap3A_76 = arith.constant 48 : index
    %swap3A_77 = tpu.vector_load %arg8[%swap3A_76] {strides = array<i32>} : memref<64xf32, #tpu.memory_space<vmem>>, vector<16xf32>,
    %swap3A_78 = vector.shape_cast %swap3A_77 : vector<16xf32> to vector<16xf32>
    %swap3A_79 = vector.shape_cast %select_n3A_75 : vector<16xf32> to vector<16xf32>
    tpu.vector_store %arg8[%swap3A_76], %swap3A_79 {strides = array<i32>} : memref<64xf32, #tpu.memory_space<vmem>>, vector<16xf32>,
    %select_n3A_80 = arith.select %eq3A_74, %get3A_13, %get3A_23 : vector<16xi1>, vector<16xf32>
    %swap3A_81 = arith.constant 48 : index
    %swap3A_82 = tpu.vector_load %arg9[%swap3A_81] {strides = array<i32>} : memref<64xf32, #tpu.memory_space<vmem>>, vector<16xf32>,
    %swap3A_83 = vector.shape_cast %swap3A_82 : vector<16xf32> to vector<16xf32>
    %swap3A_84 = vector.shape_cast %select_n3A_80 : vector<16xf32> to vector<16xf32>
    tpu.vector_store %arg9[%swap3A_81], %swap3A_84 {strides = array<i32>} : memref<64xf32, #tpu.memory_space<vmem>>, vector<16xf32>,
    "tpu.region"() ({
      %run_scoped3A = tpu.sem_alloc : memref<!tpu.dma_semaphore, #tpu.memory_space<semaphore_mem>>
      %dma_start3A = tpu.memref_slice %arg4[%mul3A_2] : memref<2048xf32, #tpu.memory_space<hbm>> -> memref<64xf32, #tpu.memory_space<hbm>>
      %dma_start3A_85 = tpu.memref_slice %arg4[%mul3A_2] : memref<2048xf32, #tpu.memory_space<hbm>> -> memref<64xf32, #tpu.memory_space<hbm>>
      tpu.enqueue_dma source(%arg8 : memref<64xf32, #tpu.memory_space<vmem>>) target(%dma_start3A_85 : memref<64xf32, #tpu.memory_space<hbm>>) target_semaphore(%run_scoped3A : memref<!tpu.dma_semaphore, #tpu.memory_space<semaphore_mem>>)
      %dma_wait3A = tpu.memref_slice %arg4[%mul3A_2] : memref<2048xf32, #tpu.memory_space<hbm>> -> memref<64xf32, #tpu.memory_space<hbm>>
      %dma_wait3A_86 = tpu.memref_slice %arg4[%mul3A_2] : memref<2048xf32, #tpu.memory_space<hbm>> -> memref<64xf32, #tpu.memory_space<hbm>>
      tpu.wait_dma2 semaphore(%run_scoped3A : memref<!tpu.dma_semaphore, #tpu.memory_space<semaphore_mem>>) src(%arg8 : memref<64xf32, #tpu.memory_space<vmem>>) dst(%dma_wait3A_86 : memref<64xf32, #tpu.memory_space<hbm>>)
      tpu.yield
    }) : () -> ()
    "tpu.region"() ({
      %run_scoped3A = tpu.sem_alloc : memref<!tpu.dma_semaphore, #tpu.memory_space<semaphore_mem>>
      %dma_start3A = tpu.memref_slice %arg5[%mul3A_2] : memref<2048xf32, #tpu.memory_space<hbm>> -> memref<64xf32, #tpu.memory_space<hbm>>
      %dma_start3A_85 = tpu.memref_slice %arg5[%mul3A_2] : memref<2048xf32, #tpu.memory_space<hbm>> -> memref<64xf32, #tpu.memory_space<hbm>>
      tpu.enqueue_dma source(%arg9 : memref<64xf32, #tpu.memory_space<vmem>>) target(%dma_start3A_85 : memref<64xf32, #tpu.memory_space<hbm>>) target_semaphore(%run_scoped3A : memref<!tpu.dma_semaphore, #tpu.memory_space<semaphore_mem>>)
      %dma_wait3A = tpu.memref_slice %arg5[%mul3A_2] : memref<2048xf32, #tpu.memory_space<hbm>> -> memref<64xf32, #tpu.memory_space<hbm>>
      %dma_wait3A_86 = tpu.memref_slice %arg5[%mul3A_2] : memref<2048xf32, #tpu.memory_space<hbm>> -> memref<64xf32, #tpu.memory_space<hbm>>
      tpu.wait_dma2 semaphore(%run_scoped3A : memref<!tpu.dma_semaphore, #tpu.memory_space<semaphore_mem>>) src(%arg9 : memref<64xf32, #tpu.memory_space<vmem>>) dst(%dma_wait3A_86 : memref<64xf32, #tpu.memory_space<hbm>>)
      tpu.yield
    }) : () -> ()
    return
  }
}

module attributes {stable_mosaic.version = 14 : i64} {
  func.func @_blend_weighted_body(%arg0: i32, %arg1: memref<4096x4096xf32, #tpu.memory_space<any>>, %arg2: memref<256x1xf32, #tpu.memory_space<vmem>>, %arg3: memref<256x1xf32, #tpu.memory_space<vmem>>, %arg4: memref<256x4096xf32, #tpu.memory_space<vmem>>, %arg5: memref<256x4096xf32, #tpu.memory_space<vmem>>, %arg6: memref<256x4096xf32, #tpu.memory_space<vmem>>) attributes {dimension_semantics = [#tpu.dimension_semantics<parallel>], iteration_bounds = array<i64: 8>, scalar_prefetch = 0 : i64, scratch_operands = 0 : i64, tpu.core_type = #tpu.core_type<tc>, window_params = [{}, {transform_indices = @transform_1, window_bounds = array<i64: 256, 1>}, {transform_indices = @transform_2, window_bounds = array<i64: 256, 1>}, {transform_indices = @transform_3, window_bounds = array<i64: 256, 4096>}, {transform_indices = @transform_4, window_bounds = array<i64: 256, 4096>}, {transform_indices = @transform_5, window_bounds = array<i64: 256, 4096>}]} {
    %get3A = arith.constant 0 : index
    %get3A_0 = arith.constant 0 : index
    %get3A_1 = vector.load %arg4[%get3A, %get3A_0] : memref<256x4096xf32, #tpu.memory_space<vmem>>, vector<256x4096xf32>
    %get3A_2 = arith.constant 0 : index
    %get3A_3 = arith.constant 0 : index
    %get3A_4 = vector.load %arg2[%get3A_2, %get3A_3] : memref<256x1xf32, #tpu.memory_space<vmem>>, vector<256x1xf32>
    %mul3A = vector.broadcast %get3A_4 : vector<256x1xf32> to vector<256x4096xf32>
    %mul3A_5 = arith.mulf %get3A_1, %mul3A : vector<256x4096xf32>
    %get3A_6 = arith.constant 0 : index
    %get3A_7 = arith.constant 0 : index
    %get3A_8 = vector.load %arg5[%get3A_6, %get3A_7] : memref<256x4096xf32, #tpu.memory_space<vmem>>, vector<256x4096xf32>
    %get3A_9 = arith.constant 0 : index
    %get3A_10 = arith.constant 0 : index
    %get3A_11 = vector.load %arg3[%get3A_9, %get3A_10] : memref<256x1xf32, #tpu.memory_space<vmem>>, vector<256x1xf32>
    %mul3A_12 = vector.broadcast %get3A_11 : vector<256x1xf32> to vector<256x4096xf32>
    %mul3A_13 = arith.mulf %get3A_8, %mul3A_12 : vector<256x4096xf32>
    %add3A = arith.addf %mul3A_5, %mul3A_13 : vector<256x4096xf32>
    %swap3A = arith.constant 0 : index
    %swap3A_14 = arith.constant 0 : index
    %swap3A_15 = vector.load %arg6[%swap3A, %swap3A_14] : memref<256x4096xf32, #tpu.memory_space<vmem>>, vector<256x4096xf32>
    tpu.vector_store %arg6[%swap3A, %swap3A_14], %add3A {strides = array<i32>} : memref<256x4096xf32, #tpu.memory_space<vmem>>, vector<256x4096xf32>,
    return
  }
  func.func @transform_1(%arg0: i32) -> (i32, i32) {
    %c0_i32 = arith.constant 0 : i32
    %c0_i32_0 = arith.constant 0 : i32
    return %arg0, %c0_i32 : i32, i32
  }
  func.func @transform_2(%arg0: i32) -> (i32, i32) {
    %c0_i32 = arith.constant 0 : i32
    %c0_i32_0 = arith.constant 0 : i32
    return %arg0, %c0_i32 : i32, i32
  }
  func.func @transform_3(%arg0: i32) -> (i32, i32) {
    %add3A = arith.constant 8 : i32
    %add3A_0 = arith.addi %arg0, %add3A : i32
    %c0_i32 = arith.constant 0 : i32
    %c0_i32_1 = arith.constant 0 : i32
    return %add3A_0, %c0_i32 : i32, i32
  }
  func.func @transform_4(%arg0: i32) -> (i32, i32) {
    %add3A = arith.constant 8 : i32
    %add3A_0 = arith.addi %arg0, %add3A : i32
    %c0_i32 = arith.constant 0 : i32
    %c0_i32_1 = arith.constant 0 : i32
    return %add3A_0, %c0_i32 : i32, i32
  }
  func.func @transform_5(%arg0: i32) -> (i32, i32) {
    %add3A = arith.constant 8 : i32
    %add3A_0 = arith.addi %arg0, %add3A : i32
    %c0_i32 = arith.constant 0 : i32
    %c0_i32_1 = arith.constant 0 : i32
    return %add3A_0, %c0_i32 : i32, i32
  }
}

module attributes {stable_mosaic.version = 14 : i64} {
  func.func @_blend_inline_body(%arg0: i32, %arg1: memref<2x2xf32, #tpu.memory_space<smem>>, %arg2: memref<256x1xi32, #tpu.memory_space<vmem>>, %arg3: memref<256x4096xf32, #tpu.memory_space<vmem>>, %arg4: memref<256x4096xf32, #tpu.memory_space<vmem>>, %arg5: memref<256x4096xf32, #tpu.memory_space<vmem>>) attributes {dimension_semantics = [#tpu.dimension_semantics<parallel>], iteration_bounds = array<i64: 8>, scalar_prefetch = 0 : i64, scratch_operands = 0 : i64, tpu.core_type = #tpu.core_type<tc>, window_params = [{transform_indices = @transform_0, window_bounds = array<i64: 2, 2>}, {transform_indices = @transform_1, window_bounds = array<i64: 256, 1>}, {transform_indices = @transform_2, window_bounds = array<i64: 256, 4096>}, {transform_indices = @transform_3, window_bounds = array<i64: 256, 4096>}, {transform_indices = @transform_4, window_bounds = array<i64: 256, 4096>}]} {
    %get3A = arith.constant 0 : index
    %get3A_0 = arith.constant 0 : index
    %get3A_1 = vector.load %arg2[%get3A, %get3A_0] : memref<256x1xi32, #tpu.memory_space<vmem>>, vector<256x1xi32>
    %eq3A = arith.constant 0 : i32
    %eq3A_2 = vector.broadcast %eq3A : i32 to vector<256x1xi32>
    %eq3A_3 = arith.cmpi eq, %get3A_1, %eq3A_2 : vector<256x1xi32>
    %get3A_4 = arith.constant 0 : index
    %get3A_5 = arith.constant 0 : index
    %get3A_6 = memref.load %arg1[%get3A_4, %get3A_5] : memref<2x2xf32, #tpu.memory_space<smem>>
    %get3A_7 = arith.constant 1 : index
    %get3A_8 = arith.constant 0 : index
    %get3A_9 = memref.load %arg1[%get3A_7, %get3A_8] : memref<2x2xf32, #tpu.memory_space<smem>>
    %broadcast_in_dim3A = vector.broadcast %get3A_6 : f32 to vector<256x1xf32>
    %broadcast_in_dim3A_10 = vector.broadcast %get3A_9 : f32 to vector<256x1xf32>
    %select_n3A = arith.select %eq3A_3, %broadcast_in_dim3A, %broadcast_in_dim3A_10 : vector<256x1xi1>, vector<256x1xf32>
    %get3A_11 = arith.constant 0 : index
    %get3A_12 = arith.constant 1 : index
    %get3A_13 = memref.load %arg1[%get3A_11, %get3A_12] : memref<2x2xf32, #tpu.memory_space<smem>>
    %get3A_14 = arith.constant 1 : index
    %get3A_15 = arith.constant 1 : index
    %get3A_16 = memref.load %arg1[%get3A_14, %get3A_15] : memref<2x2xf32, #tpu.memory_space<smem>>
    %broadcast_in_dim3A_17 = vector.broadcast %get3A_13 : f32 to vector<256x1xf32>
    %broadcast_in_dim3A_18 = vector.broadcast %get3A_16 : f32 to vector<256x1xf32>
    %select_n3A_19 = arith.select %eq3A_3, %broadcast_in_dim3A_17, %broadcast_in_dim3A_18 : vector<256x1xi1>, vector<256x1xf32>
    %get3A_20 = arith.constant 0 : index
    %get3A_21 = arith.constant 0 : index
    %get3A_22 = vector.load %arg3[%get3A_20, %get3A_21] : memref<256x4096xf32, #tpu.memory_space<vmem>>, vector<256x4096xf32>
    %mul3A = vector.broadcast %select_n3A : vector<256x1xf32> to vector<256x4096xf32>
    %mul3A_23 = arith.mulf %get3A_22, %mul3A : vector<256x4096xf32>
    %get3A_24 = arith.constant 0 : index
    %get3A_25 = arith.constant 0 : index
    %get3A_26 = vector.load %arg4[%get3A_24, %get3A_25] : memref<256x4096xf32, #tpu.memory_space<vmem>>, vector<256x4096xf32>
    %mul3A_27 = vector.broadcast %select_n3A_19 : vector<256x1xf32> to vector<256x4096xf32>
    %mul3A_28 = arith.mulf %get3A_26, %mul3A_27 : vector<256x4096xf32>
    %add3A = arith.addf %mul3A_23, %mul3A_28 : vector<256x4096xf32>
    %swap3A = arith.constant 0 : index
    %swap3A_29 = arith.constant 0 : index
    %swap3A_30 = vector.load %arg5[%swap3A, %swap3A_29] : memref<256x4096xf32, #tpu.memory_space<vmem>>, vector<256x4096xf32>
    tpu.vector_store %arg5[%swap3A, %swap3A_29], %add3A {strides = array<i32>} : memref<256x4096xf32, #tpu.memory_space<vmem>>, vector<256x4096xf32>,
    return
  }
  func.func @transform_0(%arg0: i32) -> (i32, i32) {
    %c0_i32 = arith.constant 0 : i32
    %c0_i32_0 = arith.constant 0 : i32
    %c0_i32_1 = arith.constant 0 : i32
    return %c0_i32, %c0_i32_0 : i32, i32
  }
  func.func @transform_1(%arg0: i32) -> (i32, i32) {
    %c0_i32 = arith.constant 0 : i32
    %c0_i32_0 = arith.constant 0 : i32
    return %arg0, %c0_i32 : i32, i32
  }
  func.func @transform_2(%arg0: i32) -> (i32, i32) {
    %c0_i32 = arith.constant 0 : i32
    %c0_i32_0 = arith.constant 0 : i32
    return %arg0, %c0_i32 : i32, i32
  }
  func.func @transform_3(%arg0: i32) -> (i32, i32) {
    %c0_i32 = arith.constant 0 : i32
    %c0_i32_0 = arith.constant 0 : i32
    return %arg0, %c0_i32 : i32, i32
  }
  func.func @transform_4(%arg0: i32) -> (i32, i32) {
    %c0_i32 = arith.constant 0 : i32
    %c0_i32_0 = arith.constant 0 : i32
    return %arg0, %c0_i32 : i32, i32
  }
}

</mosaic_0001>

<sc_bundles>
// kernel: kernel.5.cloned.1.call-start
scs
__scs_entry_jumppad:
0x0: {  	(pc) =	sbr.rel $0x88, $3  }
0x1: {  	(tag) =	ssettag $0x0;
	lr =	simm.s32 $0x1  }
0x2: {  	[smem:$0x3F9D] =	sst lr;
	_ =	strace $0xD0000000  }
0x3: {  	_ = 	snop  }
0x4: {  	_ = 	snop  }
0x5: {  	_ = 	snop  }
0x6: {  	_ = 	snop  }
0x7: {  	_ = 	snop  }
__scs_overlays_trampoline_lowered:
0x8: {  	[smem:$0x3FAC] =	sst s0  }
0x9: {  	[smem:$0x3FAD] =	sst s1  }
0xa: {  	[smem:$0x3FAE] =	sst s2  }
0xb: {  	[smem:$0x3FAF] =	sst s3  }
0xc: {  	[smem:$0x3FB0] =	sst s4  }
0xd: {  	[smem:$0x3FB1] =	sst s5  }
0xe: {  	[smem:$0x3FB2] =	sst s6  }
0xf: {  	[smem:$0x3FB3] =	sst s7  }
0x10: {  	[smem:$0x3FB4] =	sst s8  }
0x11: {  	[smem:$0x3FB5] =	sst s9;
	s0 =	simm.s32 @!p0 $0x0  }
0x12: {  	s1 =	sld [smem:$0x3F9B];
	s0 =	simm.s32 @p0 $0x1  }
0x13: {  	[smem:$0x3FB6] =	sst s0;
	s0 =	simm.s32 @!p1 $0x0  }
0x14: {  	s2 =	sld [smem:$0x3F9A];
	s0 =	simm.s32 @p1 $0x1  }
0x15: {  	[smem:$0x3FB7] =	sst s0;
	s0 =	simm.s32 @!p2 $0x0  }
0x16: {  	s3 =	sld [smem:$0x3FDB];
	s0 =	simm.s32 @p2 $0x1  }
0x17: {  	s4 =	simm.s32 $0x1BF5;
	[smem:$0x3FB9] =	sst s0  }
0x18: {  	s0 =	sld [smem:$0x3F9C];
	_ =	swait.ge [sflag:s4], $0x0  }
0x19: {  	s7 =	sld [smem:$0x3F9D]  }
0x1a: {  	s8 =	sadd.s32 $0xFFFFE003, lr  }
0x1b: {  	s9 =	sadd.s32 $0xFFFFFEF7, lr;
	s5 =	simm.s32 $0xFFFFFFFF;
	p2 =	slt.u32 s8, $0xFFFFF086  }
0x1c: {  	p1 =	slt.u32 s9, $0xF7A;
	s5 =	simm.s32 @!p2 $0x0  }
0x1d: {  	s5 =	simm.s32 @p1 $0x1;
	p0 =	seq.s32 s7, s2  }
0x1e: {  	s7 =	smul.u32 @!p0 $0xF7A, s2;
	p2 =	seq.s32 @!p0 s5, $0x0  }
0x1f: {  	s9 =	smul.u32 $0xF7A, s1;
	s8 =	simm.s32 @!p0 $0x1BF5;
	p2 =	por !p2, p0  }
0x20: {  	[sflag:s8] =	ssyncset.s32 @!p0 $0xFFFFF086;
	s6 =	sadd.s32 @!p0 s3, s7;
	s7 =	simm.s32 @!p0 $0x108  }
0x21: {  	s3 =	sadd.s32 s3, s9;
	s6 =	sadd.s32 @!p0 $0x88, s6;
	s7 =	simm.s32 @p2 $0x1082  }
0x22: {  	[simem:s7], [sflag:s8] =	dma.local @!p0 [hbm:s6], $0xF7A  }
0x23: {  	s9 =	sor.u32 $0xD0000000, s2;
	s6 =	simm.s32 $0x108;
	_ =	swait.ge @!p0 [sflag:s8], $0x0  }
0x24: {  	s3 =	sadd.s32 $0x88, s3;
	s6 =	simm.s32 @!p1 $0x1082;
	[sflag:s4] =	ssyncset.s32 $0xFFFFF086  }
0x25: {  	[simem:s6], [sflag:s4] =	dma.local [hbm:s3], $0xF7A  }
0x26: {  	[smem:$0x3F9D] =	sst s1;
	(tag) =	ssettag s2;
	_ =	strace s9  }
0x27: {  	s1 =	sld [smem:$0x3FAD]  }
0x28: {  	s2 =	sld [smem:$0x3FAE]  }
0x29: {  	s4 =	sld [smem:$0x3FB0]  }
0x2a: {  	p0 =	seq.s32 s5, $0x0;
	s5 =	sld [smem:$0x3FB1]  }
0x2b: {  	s6 =	sld [smem:$0x3FB2]  }
0x2c: {  	s7 =	sld [smem:$0x3FB3]  }
0x2d: {  	s3 =	simm.s32 $0x108;
	s8 =	sld [smem:$0x3FB4]  }
0x2e: {  	s3 =	simm.s32 @!p0 $0x1082;
	s9 =	sld [smem:$0x3FB5]  }
0x2f: {  	lr =	sadd.s32 s0, s3;
	s0 =	sld [smem:$0x3FAC]  }
0x30: {  	s3 =	sld [smem:$0x3FAF]  }
0x31: {  	[smem:$0x3FB8] =	sst s10  }
0x32: {  	s10 =	sld [smem:$0x3FB6];
	_ =	sdelay $0x3  }
0x33: {  	p0 =	seq.s32 s10, $0x1;
	s10 =	sld [smem:$0x3FB8];
	_ =	sdelay $0x3  }
0x34: {  	[smem:$0x3FB8] =	sst s10  }
0x35: {  	s10 =	sld [smem:$0x3FB7];
	_ =	sdelay $0x3  }
0x36: {  	p1 =	seq.s32 s10, $0x1;
	s10 =	sld [smem:$0x3FB8];
	_ =	sdelay $0x3  }
0x37: {  	[smem:$0x3FB8] =	sst s10  }
0x38: {  	s10 =	sld [smem:$0x3FB9]  }
0x39: {  	_ = 	snop;
	(pc) =	sbr.ind lr, $3  }
0x3a: {  	_ = 	snop  }
0x3b: {  	_ = 	snop  }
0x3c: {  	p2 =	seq.s32 s10, $0x1;
	s10 =	sld [smem:$0x3FB8]  }
0x3d: {  	_ =	shalt  }
0x3e: {  	_ =	shalt  }
0x3f: {  	_ =	shalt  }
0x40: {  	_ =	shalt  }
0x41: {  	_ =	shalt  }
0x42: {  	_ =	shalt  }
0x43: {  	_ =	shalt  }
0x44: {  	_ =	shalt  }
0x45: {  	_ =	shalt  }
0x46: {  	_ =	shalt  }
0x47: {  	_ =	shalt  }
0x48: {  	_ =	shalt  }
0x49: {  	_ =	shalt  }
0x4a: {  	_ =	shalt  }
0x4b: {  	_ =	shalt  }
0x4c: {  	_ =	shalt  }
0x4d: {  	_ =	shalt  }
0x4e: {  	_ =	shalt  }
0x4f: {  	_ =	shalt  }
0x50: {  	_ =	shalt  }
0x51: {  	_ =	shalt  }
0x52: {  	_ =	shalt  }
0x53: {  	_ =	shalt  }
0x54: {  	_ =	shalt  }
0x55: {  	_ =	shalt  }
0x56: {  	_ =	shalt  }
0x57: {  	_ =	shalt  }
0x58: {  	_ =	shalt  }
0x59: {  	_ =	shalt  }
0x5a: {  	_ =	shalt  }
0x5b: {  	_ =	shalt  }
0x5c: {  	_ =	shalt  }
0x5d: {  	_ =	shalt  }
0x5e: {  	_ =	shalt  }
0x5f: {  	_ =	shalt  }
0x60: {  	_ =	shalt  }
0x61: {  	_ =	shalt  }
0x62: {  	_ =	shalt  }
0x63: {  	_ =	shalt  }
0x64: {  	_ =	shalt  }
0x65: {  	_ =	shalt  }
0x66: {  	_ =	shalt  }
0x67: {  	_ =	shalt  }
0x68: {  	_ =	shalt  }
0x69: {  	_ =	shalt  }
0x6a: {  	_ =	shalt  }
0x6b: {  	_ =	shalt  }
0x6c: {  	_ =	shalt  }
0x6d: {  	_ =	shalt  }
0x6e: {  	_ =	shalt  }
0x6f: {  	_ =	shalt  }
0x70: {  	_ =	shalt  }
0x71: {  	_ =	shalt  }
0x72: {  	_ =	shalt  }
0x73: {  	_ =	shalt  }
0x74: {  	_ =	shalt  }
0x75: {  	_ =	shalt  }
0x76: {  	_ =	shalt  }
0x77: {  	_ =	shalt  }
0x78: {  	_ =	shalt  }
0x79: {  	_ =	shalt  }
0x7a: {  	_ =	shalt  }
0x7b: {  	_ =	shalt  }
0x7c: {  	_ =	shalt  }
0x7d: {  	_ =	shalt  }
0x7e: {  	_ =	shalt  }
0x7f: {  	_ =	shalt  }
0x80: {  	_ =	shalt  }
0x81: {  	_ =	shalt  }
0x82: {  	_ =	shalt  }
0x83: {  	_ =	shalt  }
0x84: {  	_ =	shalt  }
0x85: {  	_ =	shalt  }
0x86: {  	_ =	shalt  }
0x87: {  	_ =	shalt  }
.Lfunc_end0:
.L_simem_size_0:
called_computation_lowered:
.L_overlay_start_0:
0x88: {  	s2 =	sld [smem:$0x3FD9]  }
0x89: {  	s3 =	sld [smem:$0x3FFE];
	_ =	sdelay $0x1  }
0x8a: {  	s1 =	srdreg.scid  }
0x8b: {  	s0 =	sand.u32 $0x1, s1  }
0x8c: {  	s17 =	sshll.u32 s0, $0xA;
	s2 =	sadd.s32 s3, s2  }
0x8d: {  	s2 =	sadd.s32 s2, s17  }
0x8e: {  	[smem:$0x3FC4] =	sst s2  }
0x8f: {  	_ = 	snop  }
0x90: {  	s2 =	sld [smem:$0x3FC7];
	(tm) =	ssettm $0x1  }
0x91: {  	s18 =	sld [smem:$0x3FFB];
	_ =	sdelay $0x3  }
0x92: {  	_ =	strace s18  }
0x93: {  	s3 =	sld [smem:$0x3FFC];
	_ =	sdelay $0x3  }
0x94: {  	_ =	strace s3  }
0x95: {  	s3 =	sld [smem:$0x3FFD];
	_ =	sdelay $0x3  }
0x96: {  	_ =	strace s3  }
0x97: {  	_ =	strace $0x8FFFFFFF  }
0x98: {  	s19 =	sld [smem:$0x3FDB];
	_ =	sdelay $0x1  }
0x99: {  	s4 =	simm.s32 $_scs_section_size  }
0x9a: {  	s5 =	simm.s32 $_size__tile_overlayer_lowered;
	s6 =	simm.s32 $_tile_overlayer_lowered  }
0x9b: {  	s22 =	simm.s32 $0x1BFF;
	s21 =	sshll.u32 s6, $0x1;
	s3 =	sadd.s32 s4, s19  }
0x9c: {  	s7 =	simm.s32 $0x0;
	s20 =	sshll.u32 s5, $0x1;
	s5 =	sadd.s32 s21, s3  }
0x9d: {  	[timem:s7], [sflag:s22] =	dma.local [hbm:s5], s20  }
0x9e: {  	_ =	swait.ge [sflag:s22], s20  }
0x9f: {  	s4 =	ssub.s32 $0x0, s20;
	[sflag:s22] =	ssyncset.done $0x0  }
0xa0: {  	[sflag:s22] =	ssyncadd.s32 s4;
	_ =	sdelay $0x1  }
0xa1: {  	s23 =	simm.s32 $0x1B8B  }
0xa2: {  	_ =	swait.ge [sflag:s23], $0x1  }
0xa3: {  	[sflag:s23] =	ssyncset.done $0x0  }
0xa4: {  	s25 =	simm.s32 $0x1B8E;
	s24 =	sld [smem:$0x3FFE];
	[sflag:s23] =	ssyncadd.s32 $0xFFFFFFFF  }
0xa5: {  	s26 =	simm.s32 $execute0_lowered;
	[smem:$0x3FD2] =	sst s25  }
0xa6: {  	s5 =	sshll.u32 s26, $0x1;
	_ =	strace $0x80000046;
	[dreg:$0x1] =	wrdreg $0xFFFFFFFF  }
0xa7: {  	s28 =	simm.s32 $_size_execute0_lowered;
	s3 =	sadd.s32 s3, s5;
	[dreg:$0x0] =	wrdreg $0x0  }
0xa8: {  	s5 =	sshll.u32 s28, $0x1;
	[dreg:$0x2] =	wrdreg s3  }
0xa9: {  	[dreg:$0x3] =	wrdreg s5  }
0xaa: {  	[dreg:$0x4] =	wrdreg $0xC0  }
0xab: {  	_ =	task [dreg:s7], $0x5FFFF  }
0xac: {  	[dreg:$0x1] =	wrdreg $0xFFFFFFFF  }
0xad: {  	[dreg:$0x0] =	wrdreg $0x60  }
0xae: {  	[dreg:$0x2] =	wrdreg s2  }
0xaf: {  	[dreg:$0x3] =	wrdreg s24  }
0xb0: {  	[dreg:$0x4] =	wrdreg $0x9  }
0xb1: {  	_ =	task.clear_ibuf [dreg:s7], $0x5FFFF;
	_ =	strace $0x90000046  }
0xb2: {  	s29 =	simm.s32 $0x9;
	_ =	strace $0x80000048  }
0xb3: {  	_ =	swait.ge [sflag:s29], $0x1  }
0xb4: {  	[sflag:s29] =	ssyncadd.s32 $0xFFFFFFFF  }
0xb5: {  	_ =	strace $0x90000048  }
0xb6: {  	_ =	sfence  }
0xb7: {  	s30 =	sld [smem:$0x0];
	_ =	sdelay $0x2  }
0xb8: {  	s31 =	sshll.u32 s1, $0xD;
	s1 =	sshrl.u32 s1, $0x2  }
0xb9: {  	s3 =	sand.u32 $0x4000, s31;
	s1 =	sadd.s32 s1, s30  }
0xba: {  	s0 =	sor.u32 s3, s0;
	s1 =	sshll.u32 s1, $0x11  }
0xbb: {  	s0 =	sor.u32 s1, s0  }
0xbc: {  	s0 =	sadd.s32 $0x8F2B, s0  }
0xbd: {  	[sflag:s0] =	ssyncadd.remote.s32 $0x1  }
0xbe: {  	_ =	sfence.sel $0xFFFF  }
0xbf: {  	[dreg:$0x0] =	wrdreg $0xFFFFFFFF;
	(pc) =	sbr.abs _section_cstart, $3  }
0xc0: {  	[dreg:$0x1] =	wrdreg $0xFFFFFFFF  }
0xc1: {  	_ =	task.clear_ibuf [dreg:s7], $0x2FFFF;
	_ =	strace $0x9FFFFFFF  }
0xc2: {  	(tm) =	ssettm $0x7FFFFFFF  }
0xc3: {  	_ =	shalt  }
tec
execute0_lowered:
.L_overlay_start_1:
0x0: {  	(tag) =	ssettag $0x1  }
0x1: {  	s5 =	srdreg.scid  }
0x2: {  	s5 =	sand.u32 $0x1, s5  }
0x3: {  	s3 =	rddreg [dreg:$0x0];
	s7 =	sshll.u32 s5, $0x3;
	s5 =	ssub.s32 $0x2, s5  }
0x4: {  	s4 =	rddreg [dreg:$0x1];
	s30 =	sshrl.u32 s5, $0x1  }
0x5: {  	s0 =	rddreg [dreg:$0x2];
	s31 =	ssub.s32 s5, s30  }
0x6: {  	s2 =	simm.s32 $0x0;
	s1 =	stileid.u32;
	s11 =	smax.u32 s31, $0x1  }
0x7: {  	s10 =	simm.s32 $0x80;
	p0 =	por $0x0, $0x0;
	p1 =	sne.s32 s11, $0x1  }
.Ltmp0:
0x8: {  	[smem:$0x7FF] =	sst s2;
	s6 =	sshll.u32 s1, $0x4;
	(pc) =	sbr.rel @!p1 .LBB2_3-.Ltmp0, $4  }
0x9: {  	s8 =	sadd.s32 $0xA00, s4;
	_ =	strace $0x80000047;
	s6 =	sor.u32 s7, s6  }
0xa: {  	s7 =	simm.s32 $0x280;
	s4 =	sadd.s32 s6, s4;
	s3 =	sadd.s32 s6, s3  }
0xb: {  	s6 =	simm.s32 $0x300;
	s9 =	sadd.s32 $0x100, s3;
	s5 =	sadd.s32 $0xE00, s4  }
0xc: {  	s3 =	sadd.s32 $0xC00, s4;
	s4 =	simm.s32 $0x1;
	s11 =	sadd.s32 $0xFFFFFFFF, s11  }
0xd: {  	[tilespmem:s10], [sflag:$0x1] =	stream.linear.gather [hbm4b:s8+s2], $0x200, $0x38;
	[tilespmem:$0x380] =	vst v63  }
0xe: {  	_ =	swait.ge [sflag:s4], $0x200  }
0xf: {  	[sflag:s4] =	ssyncset.done $0x0  }
0x10: {  	[sflag:s4] =	ssyncadd.s32 $0xFFFFFE00  }
0x11: {  	[tilespmem:s2], [sflag:$0x1] =	stream.linear.gather [hbm4b:s9+s2], $0x40, $0x38;
	[tilespmem:$0x380] =	vst v63  }
0x12: {  	_ =	swait.ge [sflag:s4], $0x40  }
0x13: {  	[sflag:s4] =	ssyncset.done $0x0  }
0x14: {  	[sflag:s4] =	ssyncadd.s32 $0xFFFFFFC0  }
0x15: {  	v0 =	vld [tilespmem:$0x10]  }
0x16: {  	v1 =	vld [tilespmem:$0x180]  }
0x17: {  	v2 =	vld [tilespmem:$0x200]  }
0x18: {  	v3 =	vld [tilespmem:$0x80]  }
0x19: {  	v4 =	vld [tilespmem:$0x30]  }
0x1a: {  	v5 =	vld [tilespmem:$0x100]  }
0x1b: {  	v6 =	vld [tilespmem:$0x0]  }
0x1c: {  	v7 =	vld [tilespmem:$0x20]  }
0x1d: {  	vm0 =	veq.s32 v0, $0x0  }
0x1e: {  	vm1 =	veq.s32 v4, $0x0;
	v0 =	vsel vm0, v3, v1  }
0x1f: {  	v59 =	vsel vm1, v3, v1;
	[tilespmem:$0x290] =	vst v0  }
0x20: {  	vm15 =	veq.s32 v6, $0x0;
	v4 =	vsel vm1, v5, v2;
	[tilespmem:$0x2B0] =	vst v59  }
0x21: {  	vm2 =	veq.s32 v7, $0x0;
	v60 =	vsel vm15, v5, v2;
	[tilespmem:$0x330] =	vst v4  }
0x22: {  	v61 =	vsel vm2, v3, v1;
	[tilespmem:$0x300] =	vst v60  }
0x23: {  	v62 =	vsel vm2, v5, v2;
	[tilespmem:$0x2A0] =	vst v61  }
0x24: {  	v63 =	vsel vm0, v5, v2;
	[tilespmem:$0x320] =	vst v62  }
0x25: {  	v1 =	vsel vm15, v3, v1;
	[tilespmem:$0x310] =	vst v63  }
0x26: {  	[tilespmem:$0x280] =	vst v1  }
0x27: {  	[hbm4b:s5+s2] =	stream.linear.scatter [tilespmem:s7], [sflag:$0x1], $0x40, $0x38;
	[tilespmem:$0x380] =	vst v63  }
0x28: {  	p1 =	sne.s32 s11, $0x1;
	_ =	swait.ge [sflag:s4], $0x40  }
.Ltmp1:
0x29: {  	[sflag:s4] =	ssyncset.done $0x0;
	(pc) =	sbr.rel @!p1 .LBB2_3-.Ltmp1, $4  }
0x2a: {  	[sflag:s4] =	ssyncadd.s32 $0xFFFFFFC0  }
0x2b: {  	[hbm4b:s3+s2] =	stream.linear.scatter [tilespmem:s6], [sflag:$0x1], $0x40, $0x38;
	[tilespmem:$0x380] =	vst v63  }
0x2c: {  	_ =	swait.ge [sflag:s4], $0x40  }
0x2d: {  	s11 =	sadd.s32 $0xFFFFFFFF, s11;
	p0 =	por $0x1, $0x1;
	[sflag:s4] =	ssyncset.done $0x0  }
.LBB2_2:
0x2e: {  	p1 =	sne.s32 s11, $0x1;
	s11 =	sadd.s32 $0xFFFFFFFF, s11;
	[sflag:s4] =	ssyncadd.s32 $0xFFFFFFC0  }
0x2f: {  	[tilespmem:s10], [sflag:$0x1] =	stream.linear.gather [hbm4b:s8+s2], $0x200, $0x38;
	[tilespmem:$0x380] =	vst v63  }
0x30: {  	_ =	swait.ge [sflag:s4], $0x200  }
0x31: {  	[sflag:s4] =	ssyncset.done $0x0  }
0x32: {  	[sflag:s4] =	ssyncadd.s32 $0xFFFFFE00  }
0x33: {  	[tilespmem:s2], [sflag:$0x1] =	stream.linear.gather [hbm4b:s9+s2], $0x40, $0x38;
	[tilespmem:$0x380] =	vst v63  }
0x34: {  	_ =	swait.ge [sflag:s4], $0x40  }
0x35: {  	[sflag:s4] =	ssyncset.done $0x0  }
0x36: {  	[sflag:s4] =	ssyncadd.s32 $0xFFFFFFC0  }
0x37: {  	v0 =	vld [tilespmem:$0x10]  }
0x38: {  	v1 =	vld [tilespmem:$0x180]  }
0x39: {  	v2 =	vld [tilespmem:$0x200]  }
0x3a: {  	v3 =	vld [tilespmem:$0x80]  }
0x3b: {  	v4 =	vld [tilespmem:$0x30]  }
0x3c: {  	v5 =	vld [tilespmem:$0x100]  }
0x3d: {  	v6 =	vld [tilespmem:$0x0]  }
0x3e: {  	vm0 =	veq.s32 v0, $0x0;
	v0 =	vld [tilespmem:$0x20];
	_ =	sdelay $0x1  }
0x3f: {  	v7 =	vsel vm0, v3, v1;
	vm1 =	veq.s32 v4, $0x0  }
0x40: {  	[tilespmem:$0x290] =	vst v7;
	v4 =	vsel vm1, v3, v1;
	v7 =	vsel vm1, v5, v2  }
0x41: {  	vm1 =	veq.s32 v6, $0x0;
	[tilespmem:$0x2B0] =	vst v4  }
0x42: {  	v6 =	vsel vm0, v5, v2;
	v4 =	vsel vm1, v5, v2;
	vm0 =	veq.s32 v0, $0x0;
	[tilespmem:$0x330] =	vst v7  }
0x43: {  	v0 =	vsel vm1, v3, v1;
	[tilespmem:$0x300] =	vst v4;
	v1 =	vsel vm0, v3, v1;
	v2 =	vsel vm0, v5, v2  }
0x44: {  	[tilespmem:$0x2A0] =	vst v1  }
0x45: {  	[tilespmem:$0x320] =	vst v2  }
0x46: {  	[tilespmem:$0x310] =	vst v6  }
0x47: {  	[tilespmem:$0x280] =	vst v0  }
0x48: {  	[hbm4b:s5+s2] =	stream.linear.scatter [tilespmem:s7], [sflag:$0x1], $0x40, $0x38;
	[tilespmem:$0x380] =	vst v63  }
0x49: {  	_ =	swait.ge [sflag:s4], $0x40  }
.Ltmp2:
0x4a: {  	[sflag:s4] =	ssyncset.done $0x0;
	(pc) =	sbr.rel @p1 .LBB2_2-.Ltmp2, $4  }
0x4b: {  	[sflag:s4] =	ssyncadd.s32 $0xFFFFFFC0  }
0x4c: {  	[hbm4b:s3+s2] =	stream.linear.scatter [tilespmem:s6], [sflag:$0x1], $0x40, $0x38;
	[tilespmem:$0x380] =	vst v63  }
0x4d: {  	_ =	swait.ge [sflag:s4], $0x40  }
0x4e: {  	[sflag:s4] =	ssyncset.done $0x0  }
.LBB2_3:
0x4f: {  	[sflag:s4] =	ssyncadd.s32 @p0 $0xFFFFFFC0  }
0x50: {  	[tilespmem:s10], [sflag:$0x1] =	stream.linear.gather [hbm4b:s8+s2], $0x200, $0x38;
	[tilespmem:$0x380] =	vst v63  }
0x51: {  	_ =	swait.ge [sflag:s4], $0x200  }
0x52: {  	[sflag:s4] =	ssyncset.done $0x0  }
0x53: {  	[sflag:s4] =	ssyncadd.s32 $0xFFFFFE00  }
0x54: {  	[tilespmem:s2], [sflag:$0x1] =	stream.linear.gather [hbm4b:s9+s2], $0x40, $0x38;
	[tilespmem:$0x380] =	vst v63  }
0x55: {  	_ =	swait.ge [sflag:s4], $0x40  }
0x56: {  	[sflag:s4] =	ssyncset.done $0x0  }
0x57: {  	[sflag:s4] =	ssyncadd.s32 $0xFFFFFFC0  }
0x58: {  	v0 =	vld [tilespmem:$0x10]  }
0x59: {  	v1 =	vld [tilespmem:$0x180]  }
0x5a: {  	v2 =	vld [tilespmem:$0x200]  }
0x5b: {  	v3 =	vld [tilespmem:$0x80]  }
0x5c: {  	v4 =	vld [tilespmem:$0x30]  }
0x5d: {  	v5 =	vld [tilespmem:$0x100]  }
0x5e: {  	v6 =	vld [tilespmem:$0x0]  }
0x5f: {  	v7 =	vld [tilespmem:$0x20]  }
0x60: {  	vm0 =	veq.s32 v0, $0x0  }
0x61: {  	vm1 =	veq.s32 v4, $0x0;
	v0 =	vsel vm0, v3, v1  }
0x62: {  	v59 =	vsel vm1, v3, v1;
	[tilespmem:$0x290] =	vst v0  }
0x63: {  	vm15 =	veq.s32 v6, $0x0;
	v4 =	vsel vm1, v5, v2;
	[tilespmem:$0x2B0] =	vst v59  }
0x64: {  	vm2 =	veq.s32 v7, $0x0;
	v60 =	vsel vm15, v5, v2;
	[tilespmem:$0x330] =	vst v4  }
0x65: {  	v61 =	vsel vm2, v3, v1;
	[tilespmem:$0x300] =	vst v60  }
0x66: {  	v62 =	vsel vm2, v5, v2;
	[tilespmem:$0x2A0] =	vst v61  }
0x67: {  	v63 =	vsel vm0, v5, v2;
	[tilespmem:$0x320] =	vst v62  }
0x68: {  	v1 =	vsel vm15, v3, v1;
	[tilespmem:$0x310] =	vst v63  }
0x69: {  	[tilespmem:$0x280] =	vst v1  }
0x6a: {  	[hbm4b:s5+s2] =	stream.linear.scatter [tilespmem:s7], [sflag:$0x1], $0x40, $0x38;
	[tilespmem:$0x380] =	vst v63  }
0x6b: {  	_ =	swait.ge [sflag:s4], $0x40  }
0x6c: {  	[sflag:s4] =	ssyncset.done $0x0  }
0x6d: {  	[sflag:s4] =	ssyncadd.s32 $0xFFFFFFC0  }
0x6e: {  	[hbm4b:s3+s2] =	stream.linear.scatter [tilespmem:s6], [sflag:$0x1], $0x40, $0x38;
	[tilespmem:$0x380] =	vst v63  }
0x6f: {  	_ =	swait.ge [sflag:s4], $0x40  }
0x70: {  	[sflag:s4] =	ssyncset.done $0x0  }
0x71: {  	[sflag:s4] =	ssyncadd.s32 $0xFFFFFFC0  }
0x72: {  	_ =	sfence.sel $0x180000  }
0x73: {  	[bflag:$0x0] =	sbarrier.arrive $0xFFFF  }
0x74: {  	p0 =	sne.s32 s1, $0x0;
	_ =	strace $0x90000047  }
0x75: {  	s0 =	sadd.s32 @!p0 $0x100000, s0;
	[bflag:$0x2] =	sbarrier.arrive $0xFFFF  }
0x76: {  	[sflag:s0] =	ssyncadd.tile.s32 @!p0 $0x1;
	_ =	shalt  }
.Lfunc_end2:
_tile_overlayer_lowered:
.L_overlay_start_2:
0x77: {  	(tag) =	ssettag $0x2  }
0x78: {  	s0 =	rddreg [dreg:$0x0];
	s2 =	stileid.u32  }
0x79: {  	s1 =	rddreg [dreg:$0x1];
	p0 =	sne.s32 s2, $0x0  }
0x7a: {  	s3 =	rddreg [dreg:$0x2];
	[bflag:$0x3] =	sbarrier.arrive $0xFFFF;
	s2 =	simm.s32 @!p0 $0x1C01  }
0x7b: {  	[timem:s3], [sflag:s2] =	dma.local @!p0 [hbm:s0], s1  }
0x7c: {  	s0 =	simm.s32 @!p0 $0x1  }
0x7d: {  	_ =	swait.ge @!p0 [sflag:s0], s1  }
0x7e: {  	s1 =	ssub.s32 @!p0 $0x0, s1;
	[sflag:s0] =	ssyncset.done @!p0 $0x0  }
0x7f: {  	[sflag:s0] =	ssyncadd.s32 @!p0 s1  }
0x80: {  	[bflag:$0x3] =	sbarrier.arrive $0xFFFF  }
0x81: {  	_ =	shalt  }

</sc_bundles>
